<compile_context>
chip_gen: v7x
topology: tpu7x:2x2x1
jax: 0.10.2.dev20260603
libtpu: 0.0.44.dev20260713+nightly
codegen_flags: <defaults>
</compile_context>

<pallas_src>
import functools

import jax
import jax.numpy as jnp
from jax import lax
from jax.experimental import pallas as pl
from jax.experimental.pallas import tpu as pltpu
from jax.experimental.pallas import tpu_sc as plsc

E = 320000
K = 128
EDGE_TYPES = 1024
NC = 2
NS = 16
NW = NC * NS
B_PER_W = E // NW
L = 16

BE = 16000


def _sc_gather_affine(edge_distances, edge_types, mul_w, bias_w):
    mesh = plsc.VectorSubcoreMesh(
        core_axis_name="c", subcore_axis_name="s", num_cores=NC, num_subcores=NS
    )

    @functools.partial(
        pl.kernel,
        out_type=jax.ShapeDtypeStruct((E,), jnp.float32),
        mesh=mesh,
        scratch_types=[
            pltpu.VMEM((B_PER_W,), jnp.int32),
            pltpu.VMEM((B_PER_W,), jnp.float32),
            pltpu.VMEM((B_PER_W,), jnp.float32),
            pltpu.VMEM((EDGE_TYPES,), jnp.float32),
            pltpu.VMEM((EDGE_TYPES,), jnp.float32),
        ],
        compiler_params=pltpu.CompilerParams(needs_layout_passes=False),
    )
    def k(d_hbm, t_hbm, mul_hbm, bias_hbm, x_hbm, t_v, d_v, x_v, mul_v, bias_v):
        wid = lax.axis_index("s") * NC + lax.axis_index("c")
        base = wid * B_PER_W
        pltpu.sync_copy(mul_hbm, mul_v)
        pltpu.sync_copy(bias_hbm, bias_v)
        pltpu.sync_copy(t_hbm.at[pl.ds(base, B_PER_W)], t_v)
        pltpu.sync_copy(d_hbm.at[pl.ds(base, B_PER_W)], d_v)

        def body(i, carry):
            off = i * L
            idx = t_v[pl.ds(off, L)]
            m = plsc.load_gather(mul_v, [idx])
            b = plsc.load_gather(bias_v, [idx])
            d = d_v[pl.ds(off, L)]
            x_v[pl.ds(off, L)] = m * d + b
            return carry

        lax.fori_loop(0, B_PER_W // L, body, 0)
        pltpu.sync_copy(x_v, x_hbm.at[pl.ds(base, B_PER_W)])

    return k(edge_distances, edge_types, mul_w.reshape(EDGE_TYPES),
             bias_w.reshape(EDGE_TYPES))


def _tc_expand_body(x_ref, m_ref, s_ref, o_ref):
    a = (2 * 3.14159) ** 0.5
    s = jnp.abs(s_ref[...]) + 1e-05
    rs = 1.0 / s
    c = rs * (1.0 / a)
    q = rs * 0.7071067811865476
    x = x_ref[...]
    t = (x - m_ref[...]) * q
    o_ref[...] = jnp.exp(-(t * t)) * c


def _tc_expand(x, means, stds):
    n = E // BE
    return pl.pallas_call(
        _tc_expand_body,
        grid=(n,),
        in_specs=[
            pl.BlockSpec((BE, 1), lambda i: (i, 0)),
            pl.BlockSpec((1, K), lambda i: (0, 0)),
            pl.BlockSpec((1, K), lambda i: (0, 0)),
        ],
        out_specs=pl.BlockSpec((BE, K), lambda i: (i, 0)),
        out_shape=jax.ShapeDtypeStruct((E, K), jnp.float32),
    )(x, means, stds)


def kernel(edge_distances, edge_types, means, stds, mul_w, bias_w):
    x = _sc_gather_affine(edge_distances, edge_types, mul_w, bias_w)
    return _tc_expand(x[:, None], means, stds)

# --- scband reference (transcript-rebuilt; emitter-appended) ---
"""Pipeline reference for scband-gaussian-layer-25666724561253 (READ-ONLY COPY).

The authoritative reference and input builder live on the scoring server;
editing this copy changes nothing except your own understanding.
"""

import jax, jax.numpy as jnp
import numpy as np

E = 320000
K = 128
EDGE_TYPES = 1024


def setup_inputs(seed: int = 0) -> dict:
    key = jax.random.key(seed)
    k1, k2, k3, k4 = jax.random.split(key, 4)
    edge_distances = jax.random.uniform(k1, (E,), dtype=jnp.float32)
    edge_types = jax.random.randint(k2, (E,), 0, EDGE_TYPES, dtype=jnp.int32)
    # learned parameters per init_kwargs
    means = jax.random.uniform(k3, (1, K), minval=0.0, maxval=3.0, dtype=jnp.float32)
    stds = jax.random.uniform(k4, (1, K), minval=0.0, maxval=3.0, dtype=jnp.float32)
    mul_w = jnp.ones((EDGE_TYPES, 1), dtype=jnp.float32)
    bias_w = jnp.zeros((EDGE_TYPES, 1), dtype=jnp.float32)
    return {
        "edge_distances": edge_distances,
        "edge_types": edge_types,
        "means": means,
        "stds": stds,
        "mul_w": mul_w,
        "bias_w": bias_w,
    }


def _gaussian(x, mean, std):
    pi = 3.14159
    a = (2 * pi) ** 0.5
    return jnp.exp(-0.5 * ((x - mean) / std) ** 2) / (a * std)


def reference(edge_distances, edge_types, means, stds, mul_w, bias_w):
    # embedding lookups (SparseCore gather)
    mul = jnp.take(mul_w, edge_types, axis=0)    # [E, 1]
    bias = jnp.take(bias_w, edge_types, axis=0)  # [E, 1]
    x = mul * edge_distances[:, None] + bias     # [E, 1]
    x = jnp.broadcast_to(x, (x.shape[0], K))     # expand(-1, K)
    mean = means                                 # [1, K]
    std = jnp.abs(stds) + 1e-05                  # [1, K]
    gaus = _gaussian(x, mean, std).astype(means.dtype)
    return gaus

if __name__ == "__main__":
    import jax
    _d = setup_inputs()
    print(jax.jit(kernel)(*tuple(_d.values())))

</pallas_src>

<mosaic_0001>
#map = affine_map<(d0, d1) -> (0)>
module attributes {stable_mosaic.version = 14 : i64} {
  func.func @k(%arg0: i32, %arg1: i32, %arg2: memref<320000xf32, #tpu.memory_space<hbm>>, %arg3: memref<320000xi32, #tpu.memory_space<hbm>>, %arg4: memref<1024xf32, #tpu.memory_space<hbm>>, %arg5: memref<1024xf32, #tpu.memory_space<hbm>>, %arg6: memref<320000xf32, #tpu.memory_space<hbm>>, %arg7: memref<10000xi32, #tpu.memory_space<vmem>>, %arg8: memref<10000xf32, #tpu.memory_space<vmem>>, %arg9: memref<10000xf32, #tpu.memory_space<vmem>>, %arg10: memref<1024xf32, #tpu.memory_space<vmem>>, %arg11: memref<1024xf32, #tpu.memory_space<vmem>>) attributes {dimension_semantics = [#tpu.dimension_semantics<core_parallel>, #tpu.dimension_semantics<subcore_parallel>], iteration_bounds = array<i64: 2, 16>, scalar_prefetch = 0 : i64, scratch_operands = 5 : i64, tpu.core_type = #tpu.core_type<sc_vector_subcore>, window_params = [{transform_indices = #map}, {transform_indices = #map}, {transform_indices = #map}, {transform_indices = #map}, {transform_indices = #map}]} {
    %mul3A = arith.constant 2 : i32
    %mul3A_0 = arith.muli %arg1, %mul3A : i32
    %add3A = arith.addi %mul3A_0, %arg0 : i32
    %mul3A_1 = arith.constant 10000 : i32
    %mul3A_2 = arith.muli %add3A, %mul3A_1 : i32
    "tpu.region"() ({
      %run_scoped3A = tpu.sem_alloc : memref<!tpu.dma_semaphore, #tpu.memory_space<semaphore_mem>>
      tpu.enqueue_dma source(%arg4 : memref<1024xf32, #tpu.memory_space<hbm>>) target(%arg10 : memref<1024xf32, #tpu.memory_space<vmem>>) target_semaphore(%run_scoped3A : memref<!tpu.dma_semaphore, #tpu.memory_space<semaphore_mem>>)
      tpu.wait_dma2 semaphore(%run_scoped3A : memref<!tpu.dma_semaphore, #tpu.memory_space<semaphore_mem>>) src(%arg4 : memref<1024xf32, #tpu.memory_space<hbm>>) dst(%arg10 : memref<1024xf32, #tpu.memory_space<vmem>>)
      tpu.yield
    }) : () -> ()
    "tpu.region"() ({
      %run_scoped3A = tpu.sem_alloc : memref<!tpu.dma_semaphore, #tpu.memory_space<semaphore_mem>>
      tpu.enqueue_dma source(%arg5 : memref<1024xf32, #tpu.memory_space<hbm>>) target(%arg11 : memref<1024xf32, #tpu.memory_space<vmem>>) target_semaphore(%run_scoped3A : memref<!tpu.dma_semaphore, #tpu.memory_space<semaphore_mem>>)
      tpu.wait_dma2 semaphore(%run_scoped3A : memref<!tpu.dma_semaphore, #tpu.memory_space<semaphore_mem>>) src(%arg5 : memref<1024xf32, #tpu.memory_space<hbm>>) dst(%arg11 : memref<1024xf32, #tpu.memory_space<vmem>>)
      tpu.yield
    }) : () -> ()
    "tpu.region"() ({
      %run_scoped3A = tpu.sem_alloc : memref<!tpu.dma_semaphore, #tpu.memory_space<semaphore_mem>>
      %dma_start3A = tpu.memref_slice %arg3[%mul3A_2] : memref<320000xi32, #tpu.memory_space<hbm>> -> memref<10000xi32, #tpu.memory_space<hbm>>
      %dma_start3A_8 = tpu.memref_slice %arg3[%mul3A_2] : memref<320000xi32, #tpu.memory_space<hbm>> -> memref<10000xi32, #tpu.memory_space<hbm>>
      tpu.enqueue_dma source(%dma_start3A_8 : memref<10000xi32, #tpu.memory_space<hbm>>) target(%arg7 : memref<10000xi32, #tpu.memory_space<vmem>>) target_semaphore(%run_scoped3A : memref<!tpu.dma_semaphore, #tpu.memory_space<semaphore_mem>>)
      %dma_wait3A = tpu.memref_slice %arg3[%mul3A_2] : memref<320000xi32, #tpu.memory_space<hbm>> -> memref<10000xi32, #tpu.memory_space<hbm>>
      %dma_wait3A_9 = tpu.memref_slice %arg3[%mul3A_2] : memref<320000xi32, #tpu.memory_space<hbm>> -> memref<10000xi32, #tpu.memory_space<hbm>>
      tpu.wait_dma2 semaphore(%run_scoped3A : memref<!tpu.dma_semaphore, #tpu.memory_space<semaphore_mem>>) src(%dma_wait3A_9 : memref<10000xi32, #tpu.memory_space<hbm>>) dst(%arg7 : memref<10000xi32, #tpu.memory_space<vmem>>)
      tpu.yield
    }) : () -> ()
    "tpu.region"() ({
      %run_scoped3A = tpu.sem_alloc : memref<!tpu.dma_semaphore, #tpu.memory_space<semaphore_mem>>
      %dma_start3A = tpu.memref_slice %arg2[%mul3A_2] : memref<320000xf32, #tpu.memory_space<hbm>> -> memref<10000xf32, #tpu.memory_space<hbm>>
      %dma_start3A_8 = tpu.memref_slice %arg2[%mul3A_2] : memref<320000xf32, #tpu.memory_space<hbm>> -> memref<10000xf32, #tpu.memory_space<hbm>>
      tpu.enqueue_dma source(%dma_start3A_8 : memref<10000xf32, #tpu.memory_space<hbm>>) target(%arg8 : memref<10000xf32, #tpu.memory_space<vmem>>) target_semaphore(%run_scoped3A : memref<!tpu.dma_semaphore, #tpu.memory_space<semaphore_mem>>)
      %dma_wait3A = tpu.memref_slice %arg2[%mul3A_2] : memref<320000xf32, #tpu.memory_space<hbm>> -> memref<10000xf32, #tpu.memory_space<hbm>>
      %dma_wait3A_9 = tpu.memref_slice %arg2[%mul3A_2] : memref<320000xf32, #tpu.memory_space<hbm>> -> memref<10000xf32, #tpu.memory_space<hbm>>
      tpu.wait_dma2 semaphore(%run_scoped3A : memref<!tpu.dma_semaphore, #tpu.memory_space<semaphore_mem>>) src(%dma_wait3A_9 : memref<10000xf32, #tpu.memory_space<hbm>>) dst(%arg8 : memref<10000xf32, #tpu.memory_space<vmem>>)
      tpu.yield
    }) : () -> ()
    %scan3A = arith.constant 0 : i32
    %scan3A_3 = arith.constant 0 : i32
    %scan3A_4 = arith.constant 625 : i32
    %scan3A_5 = arith.addi %scan3A_3, %scan3A_4 : i32
    %scan3A_6 = arith.constant 1 : i32
    scf.for %scan3A_8 = %scan3A_3 to %scan3A_5 step %scan3A_6  : i32 {
      %mul3A_9 = arith.constant 16 : i32
      %mul3A_10 = arith.muli %scan3A_8, %mul3A_9 : i32
      %get3A = arith.index_cast %mul3A_10 : i32 to index
      %get3A_11 = tpu.vector_load %arg7[%get3A] {strides = array<i32>} : memref<10000xi32, #tpu.memory_space<vmem>>, vector<16xi32>,
      %gather3A = tpu.vector_load_idx %arg10[%get3A_11] : memref<1024xf32, #tpu.memory_space<vmem>>[vector<16xi32>], vector<16xf32>,
      %gather3A_12 = tpu.vector_load_idx %arg11[%get3A_11] : memref<1024xf32, #tpu.memory_space<vmem>>[vector<16xi32>], vector<16xf32>,
      %get3A_13 = arith.index_cast %mul3A_10 : i32 to index
      %get3A_14 = tpu.vector_load %arg8[%get3A_13] {strides = array<i32>} : memref<10000xf32, #tpu.memory_space<vmem>>, vector<16xf32>,
      %mul3A_15 = arith.mulf %gather3A, %get3A_14 : vector<16xf32>
      %add3A_16 = arith.addf %mul3A_15, %gather3A_12 : vector<16xf32>
      %swap3A = arith.index_cast %mul3A_10 : i32 to index
      %swap3A_17 = tpu.vector_load %arg9[%swap3A] {strides = array<i32>} : memref<10000xf32, #tpu.memory_space<vmem>>, vector<16xf32>,
      tpu.vector_store %arg9[%swap3A], %add3A_16 {strides = array<i32>} : memref<10000xf32, #tpu.memory_space<vmem>>, vector<16xf32>,
    }
    %scan3A_7 = arith.constant 625 : i32
    "tpu.region"() ({
      %run_scoped3A = tpu.sem_alloc : memref<!tpu.dma_semaphore, #tpu.memory_space<semaphore_mem>>
      %dma_start3A = tpu.memref_slice %arg6[%mul3A_2] : memref<320000xf32, #tpu.memory_space<hbm>> -> memref<10000xf32, #tpu.memory_space<hbm>>
      %dma_start3A_8 = tpu.memref_slice %arg6[%mul3A_2] : memref<320000xf32, #tpu.memory_space<hbm>> -> memref<10000xf32, #tpu.memory_space<hbm>>
      tpu.enqueue_dma source(%arg9 : memref<10000xf32, #tpu.memory_space<vmem>>) target(%dma_start3A_8 : memref<10000xf32, #tpu.memory_space<hbm>>) target_semaphore(%run_scoped3A : memref<!tpu.dma_semaphore, #tpu.memory_space<semaphore_mem>>)
      %dma_wait3A = tpu.memref_slice %arg6[%mul3A_2] : memref<320000xf32, #tpu.memory_space<hbm>> -> memref<10000xf32, #tpu.memory_space<hbm>>
      %dma_wait3A_9 = tpu.memref_slice %arg6[%mul3A_2] : memref<320000xf32, #tpu.memory_space<hbm>> -> memref<10000xf32, #tpu.memory_space<hbm>>
      tpu.wait_dma2 semaphore(%run_scoped3A : memref<!tpu.dma_semaphore, #tpu.memory_space<semaphore_mem>>) src(%arg9 : memref<10000xf32, #tpu.memory_space<vmem>>) dst(%dma_wait3A_9 : memref<10000xf32, #tpu.memory_space<hbm>>)
      tpu.yield
    }) : () -> ()
    return
  }
}

module attributes {stable_mosaic.version = 14 : i64} {
  func.func @_tc_expand_body(%arg0: i32, %arg1: memref<16000x1xf32, #tpu.memory_space<vmem>>, %arg2: memref<1x128xf32, #tpu.memory_space<vmem>>, %arg3: memref<1x128xf32, #tpu.memory_space<vmem>>, %arg4: memref<16000x128xf32, #tpu.memory_space<vmem>>) attributes {dimension_semantics = [#tpu.dimension_semantics<arbitrary>], iteration_bounds = array<i64: 20>, scalar_prefetch = 0 : i64, scratch_operands = 0 : i64, tpu.core_type = #tpu.core_type<tc>, window_params = [{transform_indices = @transform_0, window_bounds = array<i64: 16000, 1>}, {pipeline_mode = #tpu.pipeline_mode<synchronous>, transform_indices = @transform_1, window_bounds = array<i64: 1, 128>}, {pipeline_mode = #tpu.pipeline_mode<synchronous>, transform_indices = @transform_2, window_bounds = array<i64: 1, 128>}, {transform_indices = @transform_3, window_bounds = array<i64: 16000, 128>}]} {
    %get3A = arith.constant 0 : index
    %get3A_0 = arith.constant 0 : index
    %get3A_1 = vector.load %arg3[%get3A, %get3A_0] : memref<1x128xf32, #tpu.memory_space<vmem>>, vector<1x128xf32>
    %abs3A = math.absf %get3A_1 : vector<1x128xf32>
    %add3A = arith.constant 9.99999974E-6 : f32
    %add3A_2 = vector.broadcast %add3A : f32 to vector<1x128xf32>
    %add3A_3 = arith.addf %abs3A, %add3A_2 : vector<1x128xf32>
    %div3A = arith.constant 1.000000e+00 : f32
    %div3A_4 = vector.broadcast %div3A : f32 to vector<1x128xf32>
    %div3A_5 = arith.divf %div3A_4, %add3A_3 : vector<1x128xf32>
    %mul3A = arith.constant 0.398942441 : f32
    %mul3A_6 = vector.broadcast %mul3A : f32 to vector<1x128xf32>
    %mul3A_7 = arith.mulf %div3A_5, %mul3A_6 : vector<1x128xf32>
    %mul3A_8 = arith.constant 0.707106769 : f32
    %mul3A_9 = vector.broadcast %mul3A_8 : f32 to vector<1x128xf32>
    %mul3A_10 = arith.mulf %div3A_5, %mul3A_9 : vector<1x128xf32>
    %get3A_11 = arith.constant 0 : index
    %get3A_12 = arith.constant 0 : index
    %get3A_13 = vector.load %arg1[%get3A_11, %get3A_12] : memref<16000x1xf32, #tpu.memory_space<vmem>>, vector<16000x1xf32>
    %get3A_14 = arith.constant 0 : index
    %get3A_15 = arith.constant 0 : index
    %get3A_16 = vector.load %arg2[%get3A_14, %get3A_15] : memref<1x128xf32, #tpu.memory_space<vmem>>, vector<1x128xf32>
    %sub3A = vector.broadcast %get3A_13 : vector<16000x1xf32> to vector<16000x128xf32>
    %sub3A_17 = vector.broadcast %get3A_16 : vector<1x128xf32> to vector<16000x128xf32>
    %sub3A_18 = arith.subf %sub3A, %sub3A_17 : vector<16000x128xf32>
    %mul3A_19 = vector.broadcast %mul3A_10 : vector<1x128xf32> to vector<16000x128xf32>
    %mul3A_20 = arith.mulf %sub3A_18, %mul3A_19 : vector<16000x128xf32>
    %mul3A_21 = arith.mulf %mul3A_20, %mul3A_20 : vector<16000x128xf32>
    %neg3A = arith.constant 0.000000e+00 : f32
    %neg3A_22 = vector.broadcast %neg3A : f32 to vector<16000x128xf32>
    %neg3A_23 = arith.subf %neg3A_22, %mul3A_21 : vector<16000x128xf32>
    %exp3A = math.exp %neg3A_23 : vector<16000x128xf32>
    %mul3A_24 = vector.broadcast %mul3A_7 : vector<1x128xf32> to vector<16000x128xf32>
    %mul3A_25 = arith.mulf %exp3A, %mul3A_24 : vector<16000x128xf32>
    %swap3A = arith.constant 0 : index
    %swap3A_26 = arith.constant 0 : index
    %swap3A_27 = vector.load %arg4[%swap3A, %swap3A_26] : memref<16000x128xf32, #tpu.memory_space<vmem>>, vector<16000x128xf32>
    tpu.vector_store %arg4[%swap3A, %swap3A_26], %mul3A_25 {strides = array<i32>} : memref<16000x128xf32, #tpu.memory_space<vmem>>, vector<16000x128xf32>,
    return
  }
  func.func @transform_0(%arg0: i32) -> (i32, i32) {
    %c0_i32 = arith.constant 0 : i32
    %c0_i32_0 = arith.constant 0 : i32
    return %arg0, %c0_i32 : i32, i32
  }
  func.func @transform_1(%arg0: i32) -> (i32, i32) {
    %c0_i32 = arith.constant 0 : i32
    %c0_i32_0 = arith.constant 0 : i32
    %c0_i32_1 = arith.constant 0 : i32
    return %c0_i32, %c0_i32_0 : i32, i32
  }
  func.func @transform_2(%arg0: i32) -> (i32, i32) {
    %c0_i32 = arith.constant 0 : i32
    %c0_i32_0 = arith.constant 0 : i32
    %c0_i32_1 = arith.constant 0 : i32
    return %c0_i32, %c0_i32_0 : i32, i32
  }
  func.func @transform_3(%arg0: i32) -> (i32, i32) {
    %c0_i32 = arith.constant 0 : i32
    %c0_i32_0 = arith.constant 0 : i32
    return %arg0, %c0_i32 : i32, i32
  }
}

</mosaic_0001>

<sc_bundles>
// kernel: kernel.4.cloned.1.call-start
scs
__scs_entry_jumppad:
0x0: {  	(pc) =	sbr.rel $0x88, $3  }
0x1: {  	(tag) =	ssettag $0x0;
	lr =	simm.s32 $0x1  }
0x2: {  	[smem:$0x3F9B] =	sst lr;
	_ =	strace $0xD0000000  }
0x3: {  	_ = 	snop  }
0x4: {  	_ = 	snop  }
0x5: {  	_ = 	snop  }
0x6: {  	_ = 	snop  }
0x7: {  	_ = 	snop  }
__scs_overlays_trampoline_lowered:
0x8: {  	[smem:$0x3FAA] =	sst s0  }
0x9: {  	[smem:$0x3FAB] =	sst s1  }
0xa: {  	[smem:$0x3FAC] =	sst s2  }
0xb: {  	[smem:$0x3FAD] =	sst s3  }
0xc: {  	[smem:$0x3FAE] =	sst s4  }
0xd: {  	[smem:$0x3FAF] =	sst s5  }
0xe: {  	[smem:$0x3FB0] =	sst s6  }
0xf: {  	[smem:$0x3FB1] =	sst s7  }
0x10: {  	[smem:$0x3FB2] =	sst s8  }
0x11: {  	[smem:$0x3FB3] =	sst s9;
	s0 =	simm.s32 @!p0 $0x0  }
0x12: {  	s1 =	sld [smem:$0x3F99];
	s0 =	simm.s32 @p0 $0x1  }
0x13: {  	[smem:$0x3FB4] =	sst s0;
	s0 =	simm.s32 @!p1 $0x0  }
0x14: {  	s2 =	sld [smem:$0x3F98];
	s0 =	simm.s32 @p1 $0x1  }
0x15: {  	[smem:$0x3FB5] =	sst s0;
	s0 =	simm.s32 @!p2 $0x0  }
0x16: {  	s3 =	sld [smem:$0x3FDB];
	s0 =	simm.s32 @p2 $0x1  }
0x17: {  	s4 =	simm.s32 $0x1BF5;
	[smem:$0x3FB7] =	sst s0  }
0x18: {  	s0 =	sld [smem:$0x3F9A];
	_ =	swait.ge [sflag:s4], $0x0  }
0x19: {  	s7 =	sld [smem:$0x3F9B]  }
0x1a: {  	s8 =	sadd.s32 $0xFFFFE003, lr  }
0x1b: {  	s9 =	sadd.s32 $0xFFFFFEF7, lr;
	s5 =	simm.s32 $0xFFFFFFFF;
	p2 =	slt.u32 s8, $0xFFFFF086  }
0x1c: {  	p1 =	slt.u32 s9, $0xF7A;
	s5 =	simm.s32 @!p2 $0x0  }
0x1d: {  	s5 =	simm.s32 @p1 $0x1;
	p0 =	seq.s32 s7, s2  }
0x1e: {  	s7 =	smul.u32 @!p0 $0xF7A, s2;
	p2 =	seq.s32 @!p0 s5, $0x0  }
0x1f: {  	s9 =	smul.u32 $0xF7A, s1;
	s8 =	simm.s32 @!p0 $0x1BF5;
	p2 =	por !p2, p0  }
0x20: {  	[sflag:s8] =	ssyncset.s32 @!p0 $0xFFFFF086;
	s6 =	sadd.s32 @!p0 s3, s7;
	s7 =	simm.s32 @!p0 $0x108  }
0x21: {  	s3 =	sadd.s32 s3, s9;
	s6 =	sadd.s32 @!p0 $0x88, s6;
	s7 =	simm.s32 @p2 $0x1082  }
0x22: {  	[simem:s7], [sflag:s8] =	dma.local @!p0 [hbm:s6], $0xF7A  }
0x23: {  	s9 =	sor.u32 $0xD0000000, s2;
	s6 =	simm.s32 $0x108;
	_ =	swait.ge @!p0 [sflag:s8], $0x0  }
0x24: {  	s3 =	sadd.s32 $0x88, s3;
	s6 =	simm.s32 @!p1 $0x1082;
	[sflag:s4] =	ssyncset.s32 $0xFFFFF086  }
0x25: {  	[simem:s6], [sflag:s4] =	dma.local [hbm:s3], $0xF7A  }
0x26: {  	[smem:$0x3F9B] =	sst s1;
	(tag) =	ssettag s2;
	_ =	strace s9  }
0x27: {  	s1 =	sld [smem:$0x3FAB]  }
0x28: {  	s2 =	sld [smem:$0x3FAC]  }
0x29: {  	s4 =	sld [smem:$0x3FAE]  }
0x2a: {  	p0 =	seq.s32 s5, $0x0;
	s5 =	sld [smem:$0x3FAF]  }
0x2b: {  	s6 =	sld [smem:$0x3FB0]  }
0x2c: {  	s7 =	sld [smem:$0x3FB1]  }
0x2d: {  	s3 =	simm.s32 $0x108;
	s8 =	sld [smem:$0x3FB2]  }
0x2e: {  	s3 =	simm.s32 @!p0 $0x1082;
	s9 =	sld [smem:$0x3FB3]  }
0x2f: {  	lr =	sadd.s32 s0, s3;
	s0 =	sld [smem:$0x3FAA]  }
0x30: {  	s3 =	sld [smem:$0x3FAD]  }
0x31: {  	[smem:$0x3FB6] =	sst s10  }
0x32: {  	s10 =	sld [smem:$0x3FB4];
	_ =	sdelay $0x3  }
0x33: {  	p0 =	seq.s32 s10, $0x1;
	s10 =	sld [smem:$0x3FB6];
	_ =	sdelay $0x3  }
0x34: {  	[smem:$0x3FB6] =	sst s10  }
0x35: {  	s10 =	sld [smem:$0x3FB5];
	_ =	sdelay $0x3  }
0x36: {  	p1 =	seq.s32 s10, $0x1;
	s10 =	sld [smem:$0x3FB6];
	_ =	sdelay $0x3  }
0x37: {  	[smem:$0x3FB6] =	sst s10  }
0x38: {  	s10 =	sld [smem:$0x3FB7]  }
0x39: {  	_ = 	snop;
	(pc) =	sbr.ind lr, $3  }
0x3a: {  	_ = 	snop  }
0x3b: {  	_ = 	snop  }
0x3c: {  	p2 =	seq.s32 s10, $0x1;
	s10 =	sld [smem:$0x3FB6]  }
0x3d: {  	_ =	shalt  }
0x3e: {  	_ =	shalt  }
0x3f: {  	_ =	shalt  }
0x40: {  	_ =	shalt  }
0x41: {  	_ =	shalt  }
0x42: {  	_ =	shalt  }
0x43: {  	_ =	shalt  }
0x44: {  	_ =	shalt  }
0x45: {  	_ =	shalt  }
0x46: {  	_ =	shalt  }
0x47: {  	_ =	shalt  }
0x48: {  	_ =	shalt  }
0x49: {  	_ =	shalt  }
0x4a: {  	_ =	shalt  }
0x4b: {  	_ =	shalt  }
0x4c: {  	_ =	shalt  }
0x4d: {  	_ =	shalt  }
0x4e: {  	_ =	shalt  }
0x4f: {  	_ =	shalt  }
0x50: {  	_ =	shalt  }
0x51: {  	_ =	shalt  }
0x52: {  	_ =	shalt  }
0x53: {  	_ =	shalt  }
0x54: {  	_ =	shalt  }
0x55: {  	_ =	shalt  }
0x56: {  	_ =	shalt  }
0x57: {  	_ =	shalt  }
0x58: {  	_ =	shalt  }
0x59: {  	_ =	shalt  }
0x5a: {  	_ =	shalt  }
0x5b: {  	_ =	shalt  }
0x5c: {  	_ =	shalt  }
0x5d: {  	_ =	shalt  }
0x5e: {  	_ =	shalt  }
0x5f: {  	_ =	shalt  }
0x60: {  	_ =	shalt  }
0x61: {  	_ =	shalt  }
0x62: {  	_ =	shalt  }
0x63: {  	_ =	shalt  }
0x64: {  	_ =	shalt  }
0x65: {  	_ =	shalt  }
0x66: {  	_ =	shalt  }
0x67: {  	_ =	shalt  }
0x68: {  	_ =	shalt  }
0x69: {  	_ =	shalt  }
0x6a: {  	_ =	shalt  }
0x6b: {  	_ =	shalt  }
0x6c: {  	_ =	shalt  }
0x6d: {  	_ =	shalt  }
0x6e: {  	_ =	shalt  }
0x6f: {  	_ =	shalt  }
0x70: {  	_ =	shalt  }
0x71: {  	_ =	shalt  }
0x72: {  	_ =	shalt  }
0x73: {  	_ =	shalt  }
0x74: {  	_ =	shalt  }
0x75: {  	_ =	shalt  }
0x76: {  	_ =	shalt  }
0x77: {  	_ =	shalt  }
0x78: {  	_ =	shalt  }
0x79: {  	_ =	shalt  }
0x7a: {  	_ =	shalt  }
0x7b: {  	_ =	shalt  }
0x7c: {  	_ =	shalt  }
0x7d: {  	_ =	shalt  }
0x7e: {  	_ =	shalt  }
0x7f: {  	_ =	shalt  }
0x80: {  	_ =	shalt  }
0x81: {  	_ =	shalt  }
0x82: {  	_ =	shalt  }
0x83: {  	_ =	shalt  }
0x84: {  	_ =	shalt  }
0x85: {  	_ =	shalt  }
0x86: {  	_ =	shalt  }
0x87: {  	_ =	shalt  }
.Lfunc_end0:
.L_simem_size_0:
called_computation_lowered:
.L_overlay_start_0:
0x88: {  	s2 =	sld [smem:$0x3FD9]  }
0x89: {  	s3 =	sld [smem:$0x3FFE];
	_ =	sdelay $0x1  }
0x8a: {  	s1 =	srdreg.scid  }
0x8b: {  	s0 =	sand.u32 $0x1, s1  }
0x8c: {  	s18 =	sshll.u32 s0, $0xA;
	s2 =	sadd.s32 s3, s2  }
0x8d: {  	s2 =	sadd.s32 s2, s18  }
0x8e: {  	[smem:$0x3FC2] =	sst s2  }
0x8f: {  	_ = 	snop  }
0x90: {  	s2 =	sld [smem:$0x3FC9]  }
0x91: {  	s19 =	sld [smem:$0x3FC8]  }
0x92: {  	s4 =	sld [smem:$0x3FC5]  }
0x93: {  	s5 =	sld [smem:$0x3FC4]  }
0x94: {  	s6 =	sld [smem:$0x3FD0];
	(tm) =	ssettm $0x1  }
0x95: {  	s7 =	sld [smem:$0x3FFB];
	_ =	sdelay $0x3  }
0x96: {  	_ =	strace s7  }
0x97: {  	s7 =	sld [smem:$0x3FFC];
	_ =	sdelay $0x3  }
0x98: {  	_ =	strace s7  }
0x99: {  	s7 =	sld [smem:$0x3FFD];
	_ =	sdelay $0x3  }
0x9a: {  	_ =	strace s7  }
0x9b: {  	_ =	strace $0x8FFFFFFF  }
0x9c: {  	s20 =	sld [smem:$0x3FDB];
	_ =	sdelay $0x1  }
0x9d: {  	s8 =	simm.s32 $_scs_section_size  }
0x9e: {  	s9 =	simm.s32 $_size__tile_overlayer_lowered;
	s10 =	simm.s32 $_tile_overlayer_lowered  }
0x9f: {  	s23 =	simm.s32 $0x1BFF;
	s22 =	sshll.u32 s10, $0x1;
	s7 =	sadd.s32 s8, s20  }
0xa0: {  	s11 =	simm.s32 $0x0;
	s21 =	sshll.u32 s9, $0x1;
	s9 =	sadd.s32 s22, s7  }
0xa1: {  	[timem:s11], [sflag:s23] =	dma.local [hbm:s9], s21  }
0xa2: {  	_ =	swait.ge [sflag:s23], s21  }
0xa3: {  	s8 =	ssub.s32 $0x0, s21;
	[sflag:s23] =	ssyncset.done $0x0  }
0xa4: {  	[sflag:s23] =	ssyncadd.s32 s8;
	_ =	sdelay $0x1  }
0xa5: {  	s24 =	simm.s32 $0x1B8B  }
0xa6: {  	_ =	swait.ge [sflag:s24], $0x1  }
0xa7: {  	[sflag:s24] =	ssyncset.done $0x0  }
0xa8: {  	s25 =	simm.s32 $0x1B8E;
	[sflag:s24] =	ssyncadd.s32 $0xFFFFFFFF  }
0xa9: {  	s26 =	simm.s32 $execute0_lowered;
	[smem:$0x3FD2] =	sst s25  }
0xaa: {  	s8 =	sshll.u32 s26, $0x1;
	_ =	strace $0x80000046;
	[dreg:$0x1] =	wrdreg $0xFFFFFFFF  }
0xab: {  	s28 =	simm.s32 $_size_execute0_lowered;
	s7 =	sadd.s32 s7, s8;
	[dreg:$0x0] =	wrdreg $0x0  }
0xac: {  	s8 =	sshll.u32 s28, $0x1;
	[dreg:$0x2] =	wrdreg s7  }
0xad: {  	[dreg:$0x3] =	wrdreg s8  }
0xae: {  	[dreg:$0x4] =	wrdreg $0xC0  }
0xaf: {  	_ =	task [dreg:s11], $0x5FFFF  }
0xb0: {  	[dreg:$0x1] =	wrdreg $0xFFFFFFFF  }
0xb1: {  	[dreg:$0x0] =	wrdreg $0x60  }
0xb2: {  	[dreg:$0x2] =	wrdreg s2  }
0xb3: {  	[dreg:$0x3] =	wrdreg s19  }
0xb4: {  	[dreg:$0x4] =	wrdreg s4  }
0xb5: {  	[dreg:$0x5] =	wrdreg s5  }
0xb6: {  	[dreg:$0x6] =	wrdreg s6  }
0xb7: {  	[dreg:$0x7] =	wrdreg $0x9  }
0xb8: {  	_ =	task.clear_ibuf [dreg:s11], $0x8FFFF;
	_ =	strace $0x90000046  }
0xb9: {  	s29 =	simm.s32 $0x9;
	_ =	strace $0x80000048  }
0xba: {  	_ =	swait.ge [sflag:s29], $0x1  }
0xbb: {  	[sflag:s29] =	ssyncadd.s32 $0xFFFFFFFF  }
0xbc: {  	_ =	strace $0x90000048  }
0xbd: {  	_ =	sfence  }
0xbe: {  	s30 =	sld [smem:$0x0];
	_ =	sdelay $0x2  }
0xbf: {  	s31 =	sshll.u32 s1, $0xD;
	s1 =	sshrl.u32 s1, $0x2  }
0xc0: {  	s3 =	sand.u32 $0x4000, s31;
	s1 =	sadd.s32 s1, s30  }
0xc1: {  	s0 =	sor.u32 s3, s0;
	s1 =	sshll.u32 s1, $0x11  }
0xc2: {  	s0 =	sor.u32 s1, s0  }
0xc3: {  	s0 =	sadd.s32 $0x8F2B, s0  }
0xc4: {  	[sflag:s0] =	ssyncadd.remote.s32 $0x1  }
0xc5: {  	_ =	sfence.sel $0xFFFF  }
0xc6: {  	[dreg:$0x0] =	wrdreg $0xFFFFFFFF;
	(pc) =	sbr.abs _section_cstart, $3  }
0xc7: {  	[dreg:$0x1] =	wrdreg $0xFFFFFFFF  }
0xc8: {  	_ =	task.clear_ibuf [dreg:s11], $0x2FFFF;
	_ =	strace $0x9FFFFFFF  }
0xc9: {  	(tm) =	ssettm $0x7FFFFFFF  }
tec
execute0_lowered:
.L_overlay_start_1:
0x0: {  	(tag) =	ssettag $0x1  }
0x1: {  	s6 =	rddreg [dreg:$0x0]  }
0x2: {  	s5 =	rddreg [dreg:$0x1]  }
0x3: {  	s1 =	rddreg [dreg:$0x2]  }
0x4: {  	s3 =	rddreg [dreg:$0x3];
	s2 =	srdreg.scid  }
0x5: {  	s0 =	stileid.u32;
	s7 =	rddreg [dreg:$0x4]  }
0x6: {  	s11 =	simm.s32 $0x7A80;
	s12 =	simm.s32 $0x2780;
	s13 =	simm.s32 $0x4F00  }
0x7: {  	s14 =	simm.s32 $0x0;
	s8 =	sand.u32 $0x1, s2;
	s4 =	sshll.u32 s0, $0x1  }
0x8: {  	s9 =	sor.u32 s8, s4;
	s4 =	simm.s32 $0x0;
	s8 =	ssub.s32 $0x2, s8  }
0x9: {  	s9 =	smul.u32 $0x4E2, s9;
	[smem:$0x7FF] =	sst s4;
	s10 =	sshrl.u32 s8, $0x1  }
0xa: {  	s2 =	rddreg [dreg:$0x5];
	_ =	strace $0x80000047;
	s8 =	ssub.s32 s8, s10  }
0xb: {  	s10 =	simm.s32 $0x1;
	s5 =	sadd.s32 s5, s9;
	s6 =	sadd.s32 s6, s9  }
0xc: {  	s7 =	sadd.s32 s7, s9;
	s8 =	smax.u32 s8, $0x1;
	s9 =	simm.s32 $0x7680  }
.LBB2_1:
0xd: {  	[tilespmem:s9], [sflag:$0x1] =	stream.linear.gather [hbm4b:s1+s4], $0x400, $0x38;
	[tilespmem:$0x7E80] =	vst v63  }
0xe: {  	_ =	swait.ge [sflag:s10], $0x400  }
0xf: {  	[sflag:s10] =	ssyncset.done $0x0  }
0x10: {  	[sflag:s10] =	ssyncadd.s32 $0xFFFFFC00  }
0x11: {  	[tilespmem:s11], [sflag:$0x1] =	stream.linear.gather [hbm4b:s3+s4], $0x400, $0x38;
	[tilespmem:$0x7E80] =	vst v63  }
0x12: {  	_ =	swait.ge [sflag:s10], $0x400  }
0x13: {  	[sflag:s10] =	ssyncset.done $0x0  }
0x14: {  	[sflag:s10] =	ssyncadd.s32 $0xFFFFFC00  }
0x15: {  	[tilespmem:s4], [sflag:$0x1] =	stream.linear.gather [hbm4b:s5+s4], $0x2710, $0x38;
	[tilespmem:$0x7E80] =	vst v63  }
0x16: {  	_ =	swait.ge [sflag:s10], $0x2710  }
0x17: {  	[sflag:s10] =	ssyncset.done $0x0  }
0x18: {  	[sflag:s10] =	ssyncadd.s32 $0xFFFFD8F0  }
0x19: {  	[tilespmem:s12], [sflag:$0x1] =	stream.linear.gather [hbm4b:s6+s4], $0x2710, $0x38;
	[tilespmem:$0x7E80] =	vst v63  }
0x1a: {  	_ =	swait.ge [sflag:s10], $0x2710  }
0x1b: {  	[sflag:s10] =	ssyncset.done $0x0  }
0x1c: {  	s15 =	simm.s32 $0x0;
	[sflag:s10] =	ssyncadd.s32 $0xFFFFD8F0  }
0x1d: {  	v2 =	vld [tilespmem:s15+$0x0];
	_ =	sdelay $0x6  }
0x1e: {  	v1 =	vld [tilespmem:s15+$0x2780]  }
0x1f: {  	v0 =	vld.idx.msk [tilespmem:v2+s9+$0x0], $0xffff  }
0x20: {  	s16 =	simm.s32 $0x10;
	s17 =	simm.s32 $0x80;
	v2 =	vld.idx.msk [tilespmem:v2+s11+$0x0], $0xffff  }
.LBB2_2:
0x21: {  	p0 =	sne.s32 s17, $0x9C00;
	v3 =	vld [tilespmem:s16+$0x0];
	_ =	sdelay $0x2  }
0x22: {  	v0 =	vmul.f32 v1, v0;
	_ =	sdelay $0x1  }
0x23: {  	v0 =	vadd.f32 v0, v2  }
.Ltmp0:
0x24: {  	(pc) =	sbr.rel @p0 .LBB2_2-.Ltmp0, $4  }
0x25: {  	[tilespmem:s15+$0x4F00] =	vst v0;
	s15 =	smov.u32 s16  }
0x26: {  	v0 =	vld.idx.msk [tilespmem:v3+s9+$0x0], $0xffff  }
0x27: {  	v1 =	vld [tilespmem:s15+$0x2780]  }
0x28: {  	s16 =	sshra.s32 s17, $0x2;
	s17 =	sadd.s32 $0x40, s17;
	v2 =	vld.idx.msk [tilespmem:v3+s11+$0x0], $0xffff  }
0x29: {  	v3 =	vld [tilespmem:s16+$0x0];
	_ =	sdelay $0x2  }
0x2a: {  	v0 =	vmul.f32 v1, v0;
	_ =	sdelay $0x1  }
0x2b: {  	v0 =	vadd.f32 v0, v2;
	_ =	sdelay $0x1  }
0x2c: {  	[tilespmem:s15+$0x4F00] =	vst v0  }
0x2d: {  	v0 =	vld.idx.msk [tilespmem:v3+s9+$0x0], $0xffff  }
0x2e: {  	v62 =	vld [tilespmem:s16+$0x2780];
	_ =	sdelay $0x1  }
0x2f: {  	v63 =	vld.idx.msk [tilespmem:v3+s11+$0x0], $0xffff;
	_ =	sdelay $0x2  }
0x30: {  	v0 =	vmul.f32 v62, v0;
	_ =	sdelay $0x1  }
0x31: {  	s14 =	sadd.s32 $0x1, s14;
	v0 =	vadd.f32 v0, v63  }
0x32: {  	p0 =	sne.s32 s14, s8  }
.Ltmp1:
0x33: {  	[tilespmem:s16+$0x4F00] =	vst v0;
	(pc) =	sbr.rel @p0 .LBB2_1-.Ltmp1, $4  }
0x34: {  	[hbm4b:s7+s4] =	stream.linear.scatter [tilespmem:s13], [sflag:$0x1], $0x2710, $0x38;
	[tilespmem:$0x7E80] =	vst v63  }
0x35: {  	_ =	swait.ge [sflag:s10], $0x2710  }
0x36: {  	[sflag:s10] =	ssyncset.done $0x0  }
0x37: {  	[sflag:s10] =	ssyncadd.s32 $0xFFFFD8F0  }
0x38: {  	_ =	sfence.sel $0x180000  }
0x39: {  	[bflag:$0x0] =	sbarrier.arrive $0xFFFF  }
0x3a: {  	p0 =	sne.s32 s0, $0x0;
	_ =	strace $0x90000047  }
0x3b: {  	s0 =	sadd.s32 @!p0 $0x100000, s2;
	[bflag:$0x2] =	sbarrier.arrive $0xFFFF  }
0x3c: {  	[sflag:s0] =	ssyncadd.tile.s32 @!p0 $0x1;
	_ =	shalt  }
.Lfunc_end2:
_tile_overlayer_lowered:
.L_overlay_start_2:
0x3d: {  	(tag) =	ssettag $0x2  }
0x3e: {  	s0 =	rddreg [dreg:$0x0];
	s2 =	stileid.u32  }
0x3f: {  	s1 =	rddreg [dreg:$0x1];
	p0 =	sne.s32 s2, $0x0  }
0x40: {  	s3 =	rddreg [dreg:$0x2];
	[bflag:$0x3] =	sbarrier.arrive $0xFFFF;
	s2 =	simm.s32 @!p0 $0x1C01  }
0x41: {  	[timem:s3], [sflag:s2] =	dma.local @!p0 [hbm:s0], s1  }
0x42: {  	s0 =	simm.s32 @!p0 $0x1  }
0x43: {  	_ =	swait.ge @!p0 [sflag:s0], s1  }
0x44: {  	s1 =	ssub.s32 @!p0 $0x0, s1;
	[sflag:s0] =	ssyncset.done @!p0 $0x0  }
0x45: {  	[sflag:s0] =	ssyncadd.s32 @!p0 s1  }
0x46: {  	[bflag:$0x3] =	sbarrier.arrive $0xFFFF  }
0x47: {  	_ =	shalt  }

</sc_bundles>
